<compile_context>
chip_gen: v7x
topology: tpu7x:2x2x1
jax: 0.10.2.dev20260603
libtpu: 0.0.44.dev20260713+nightly
codegen_flags: <defaults>
</compile_context>

<pallas_src>
import dataclasses
import functools

import jax
import jax.numpy as jnp
from jax.experimental import pallas as pl
from jax.experimental.pallas import tpu as pltpu
from jax.experimental.pallas import tpu_sc as plsc

BETA = 0.1
VBLK = 65536
N_WORKERS = 32
CHUNK = 31296


def _sc_boost_kernel(vocab, n_ent, ids_hbm, out_hbm, buf, ids_vmem, sem):
    w = jax.lax.axis_index("core") * 16 + jax.lax.axis_index("subcore")
    lo = w * CHUNK
    last = vocab - (N_WORKERS - 1) * CHUNK
    size = jnp.where(w == N_WORKERS - 1, last, CHUNK)
    hi = lo + size

    @pl.loop(0, CHUNK, step=16)
    def _(i):
        buf[pl.ds(i, 16)] = jnp.zeros((16,), buf.dtype)

    pltpu.async_copy(ids_hbm, ids_vmem, sem).wait()

    beta_vec = jnp.full((16,), BETA, buf.dtype)

    @pl.loop(0, n_ent, step=16)
    def _(i):
        idx = ids_vmem[pl.ds(i, 16)]
        m = (idx >= lo) & (idx < hi)
        loc = jnp.where(m, idx - lo, 0)
        plsc.store_scatter(buf, [loc], beta_vec, mask=m)

    @pl.when(w < N_WORKERS - 1)
    def _():
        pltpu.async_copy(buf.at[pl.ds(0, CHUNK)],
                         out_hbm.at[pl.ds(lo, CHUNK)], sem).wait()

    @pl.when(w == N_WORKERS - 1)
    def _():
        pltpu.async_copy(buf.at[pl.ds(0, last)],
                         out_hbm.at[pl.ds(lo, last)], sem).wait()


def _make_boost(entity_token_ids, vocab, dtype):
    n_ent = entity_token_ids.shape[0]
    cp = pltpu.CompilerParams()
    if "needs_layout_passes" in pltpu.CompilerParams.__dataclass_fields__:
        cp = dataclasses.replace(cp, needs_layout_passes=False)
    boost = pl.kernel(
        functools.partial(_sc_boost_kernel, vocab, n_ent),
        out_type=jax.ShapeDtypeStruct((vocab,), dtype),
        mesh=plsc.VectorSubcoreMesh(core_axis_name="core",
                                    subcore_axis_name="subcore"),
        scratch_types=[
            pltpu.VMEM((CHUNK,), dtype),
            pltpu.VMEM((n_ent,), jnp.int32),
            pltpu.SemaphoreType.DMA,
        ],
        compiler_params=cp,
    )(entity_token_ids)
    return boost


def _add_kernel(s_ref, b_ref, o_ref):
    o_ref[...] = s_ref[...] + b_ref[...]


def kernel(input_ids, scores, cur_len, entity_token_ids):
    del input_ids, cur_len
    batch, vocab = scores.shape

    boost = _make_boost(entity_token_ids.astype(jnp.int32), vocab,
                        scores.dtype).reshape(1, vocab)

    nblk = pl.cdiv(vocab, VBLK)
    out = pl.pallas_call(
        _add_kernel,
        out_shape=jax.ShapeDtypeStruct((batch, vocab), scores.dtype),
        grid=(nblk,),
        in_specs=[
            pl.BlockSpec((batch, VBLK), lambda j: (0, j)),
            pl.BlockSpec((1, VBLK), lambda j: (0, j)),
        ],
        out_specs=pl.BlockSpec((batch, VBLK), lambda j: (0, j)),
        compiler_params=pltpu.CompilerParams(
            dimension_semantics=("arbitrary",),
        ),
    )(scores, boost)
    return out

# --- scband reference (transcript-rebuilt; emitter-appended) ---
"""Pipeline reference for scband-entity-constraint-logits-processor-33835752358567 (READ-ONLY COPY).

The authoritative reference and input builder live on the scoring server;
editing this copy changes nothing except your own understanding.
"""

import jax, jax.numpy as jnp
import numpy as np

BATCH = 32
SEQ = 2048
VOCAB = 1000000
N_ENT = 512
BETA = 0.1


def setup_inputs(seed: int = 0) -> dict:
    key = jax.random.key(seed)
    k1, k2, k3 = jax.random.split(key, 3)
    input_ids = jax.random.randint(k1, (BATCH, SEQ), 0, VOCAB, dtype=jnp.int64 if jax.config.jax_enable_x64 else jnp.int32)
    scores = jax.random.normal(k2, (BATCH, VOCAB), dtype=jnp.float32)
    cur_len = 100
    # entity_token_ids plays the role of the precomputed set built in __init__
    # from spacy entities + tokenizer.encode; materialized here as a buffer.
    entity_token_ids = jax.random.randint(k3, (N_ENT,), 0, VOCAB, dtype=jnp.int64 if jax.config.jax_enable_x64 else jnp.int32)
    return {"input_ids": input_ids, "scores": scores, "cur_len": cur_len, "entity_token_ids": entity_token_ids}


def reference(input_ids, scores, cur_len, entity_token_ids):
    vocab_size = scores.shape[-1]
    # torch: entity_boost = zeros(vocab); entity_boost[token_id] = beta for each entity token
    entity_boost = jnp.zeros((vocab_size,), dtype=scores.dtype).at[entity_token_ids].set(BETA)
    return scores + entity_boost

if __name__ == "__main__":
    import jax
    _d = setup_inputs()
    print(jax.jit(kernel)(*tuple(_d.values())))

</pallas_src>

<mosaic_0001>
#map = affine_map<(d0, d1) -> (0)>
module attributes {stable_mosaic.version = 14 : i64} {
  func.func @_sc_boost_kernel(%arg0: i32, %arg1: i32, %arg2: memref<512xi32, #tpu.memory_space<hbm>>, %arg3: memref<1000000xf32, #tpu.memory_space<hbm>>, %arg4: memref<31296xf32, #tpu.memory_space<vmem>>, %arg5: memref<512xi32, #tpu.memory_space<vmem>>, %arg6: memref<!tpu.dma_semaphore, #tpu.memory_space<semaphore_mem>>) attributes {dimension_semantics = [#tpu.dimension_semantics<core_parallel>, #tpu.dimension_semantics<subcore_parallel>], iteration_bounds = array<i64: 2, 16>, scalar_prefetch = 0 : i64, scratch_operands = 3 : i64, tpu.core_type = #tpu.core_type<sc_vector_subcore>, window_params = [{transform_indices = #map}, {transform_indices = #map}]} {
    %mul3A = arith.constant 16 : i32
    %mul3A_0 = arith.muli %arg0, %mul3A : i32
    %add3A = arith.addi %mul3A_0, %arg1 : i32
    %mul3A_1 = arith.constant 31296 : i32
    %mul3A_2 = arith.muli %add3A, %mul3A_1 : i32
    %eq3A = arith.constant 31 : i32
    %eq3A_3 = arith.cmpi eq, %add3A, %eq3A : i32
    %jit3A = arith.constant 29824 : i32
    %jit3A_4 = arith.constant 31296 : i32
    %select_n3A = arith.select %eq3A_3, %jit3A, %jit3A_4 : i32
    %add3A_5 = arith.addi %mul3A_2, %select_n3A : i32
    %scan3A = arith.constant 0 : i32
    %scan3A_6 = arith.constant 1956 : i32
    %scan3A_7 = arith.addi %scan3A, %scan3A_6 : i32
    %scan3A_8 = arith.constant 1 : i32
    scf.for %scan3A_23 = %scan3A to %scan3A_7 step %scan3A_8  : i32 {
      %mul3A_24 = arith.constant 16 : i32
      %mul3A_25 = arith.muli %scan3A_23, %mul3A_24 : i32
      %add3A_26 = arith.constant 0 : i32
      %add3A_27 = arith.addi %add3A_26, %mul3A_25 : i32
      %broadcast_in_dim3A_28 = arith.constant 0.000000e+00 : f32
      %broadcast_in_dim3A_29 = vector.broadcast %broadcast_in_dim3A_28 : f32 to vector<16xf32>
      %swap3A = arith.index_cast %add3A_27 : i32 to index
      %swap3A_30 = tpu.vector_load %arg4[%swap3A] {strides = array<i32>} : memref<31296xf32, #tpu.memory_space<vmem>>, vector<16xf32>,
      tpu.vector_store %arg4[%swap3A], %broadcast_in_dim3A_29 {strides = array<i32>} : memref<31296xf32, #tpu.memory_space<vmem>>, vector<16xf32>,
    }
    %scan3A_9 = arith.constant 1956 : i32
    tpu.enqueue_dma source(%arg2 : memref<512xi32, #tpu.memory_space<hbm>>) target(%arg5 : memref<512xi32, #tpu.memory_space<vmem>>) target_semaphore(%arg6 : memref<!tpu.dma_semaphore, #tpu.memory_space<semaphore_mem>>)
    tpu.wait_dma2 semaphore(%arg6 : memref<!tpu.dma_semaphore, #tpu.memory_space<semaphore_mem>>) src(%arg2 : memref<512xi32, #tpu.memory_space<hbm>>) dst(%arg5 : memref<512xi32, #tpu.memory_space<vmem>>)
    %broadcast_in_dim3A = arith.constant 1.000000e-01 : f32
    %broadcast_in_dim3A_10 = vector.broadcast %broadcast_in_dim3A : f32 to vector<16xf32>
    %scan3A_11 = arith.constant 0 : i32
    %scan3A_12 = arith.constant 32 : i32
    %scan3A_13 = arith.addi %scan3A_11, %scan3A_12 : i32
    %scan3A_14 = arith.constant 1 : i32
    scf.for %scan3A_23 = %scan3A_11 to %scan3A_13 step %scan3A_14  : i32 {
      %mul3A_24 = arith.constant 16 : i32
      %mul3A_25 = arith.muli %scan3A_23, %mul3A_24 : i32
      %add3A_26 = arith.constant 0 : i32
      %add3A_27 = arith.addi %add3A_26, %mul3A_25 : i32
      %get3A = arith.index_cast %add3A_27 : i32 to index
      %get3A_28 = tpu.vector_load %arg5[%get3A] {strides = array<i32>} : memref<512xi32, #tpu.memory_space<vmem>>, vector<16xi32>,
      %ge3A = vector.broadcast %mul3A_2 : i32 to vector<16xi32>
      %ge3A_29 = arith.cmpi sge, %get3A_28, %ge3A : vector<16xi32>
      %lt3A_30 = vector.broadcast %add3A_5 : i32 to vector<16xi32>
      %lt3A_31 = arith.cmpi slt, %get3A_28, %lt3A_30 : vector<16xi32>
      %and3A = arith.andi %ge3A_29, %lt3A_31 : vector<16xi1>
      %sub3A = vector.broadcast %mul3A_2 : i32 to vector<16xi32>
      %sub3A_32 = arith.subi %get3A_28, %sub3A : vector<16xi32>
      %jit3A_33 = arith.constant 0 : i32
      %broadcast_in_dim3A_34 = vector.broadcast %jit3A_33 : i32 to vector<16xi32>
      %select_n3A_35 = arith.select %and3A, %sub3A_32, %broadcast_in_dim3A_34 : vector<16xi1>, vector<16xi32>
      tpu.vector_store_idx %arg4[%select_n3A_35], %broadcast_in_dim3A_10 masked %and3A : memref<31296xf32, #tpu.memory_space<vmem>>[vector<16xi32>], vector<16xf32>, vector<16xi1>
    }
    %scan3A_15 = arith.constant 32 : i32
    %lt3A = arith.constant 31 : i32
    %lt3A_16 = arith.cmpi slt, %add3A, %lt3A : i32
    %convert_element_type3A = arith.extui %lt3A_16 : i1 to i32
    %cond3A = arith.constant 0 : i32
    %cond3A_17 = arith.cmpi ne, %convert_element_type3A, %cond3A : i32
    scf.if %cond3A_17 {
      %dma_start3A = arith.constant 0 : i32
      %dma_start3A_23 = tpu.memref_slice %arg4[%dma_start3A] : memref<31296xf32, #tpu.memory_space<vmem>> -> memref<31296xf32, #tpu.memory_space<vmem>>
      %dma_start3A_24 = tpu.memref_slice %arg3[%mul3A_2] : memref<1000000xf32, #tpu.memory_space<hbm>> -> memref<31296xf32, #tpu.memory_space<hbm>>
      %dma_start3A_25 = tpu.memref_slice %arg3[%mul3A_2] : memref<1000000xf32, #tpu.memory_space<hbm>> -> memref<31296xf32, #tpu.memory_space<hbm>>
      %dma_start3A_26 = arith.constant 0 : i32
      %dma_start3A_27 = tpu.memref_slice %arg4[%dma_start3A_26] : memref<31296xf32, #tpu.memory_space<vmem>> -> memref<31296xf32, #tpu.memory_space<vmem>>
      tpu.enqueue_dma source(%dma_start3A_27 : memref<31296xf32, #tpu.memory_space<vmem>>) target(%dma_start3A_25 : memref<31296xf32, #tpu.memory_space<hbm>>) target_semaphore(%arg6 : memref<!tpu.dma_semaphore, #tpu.memory_space<semaphore_mem>>)
      %dma_wait3A = arith.constant 0 : i32
      %dma_wait3A_28 = tpu.memref_slice %arg4[%dma_wait3A] : memref<31296xf32, #tpu.memory_space<vmem>> -> memref<31296xf32, #tpu.memory_space<vmem>>
      %dma_wait3A_29 = tpu.memref_slice %arg3[%mul3A_2] : memref<1000000xf32, #tpu.memory_space<hbm>> -> memref<31296xf32, #tpu.memory_space<hbm>>
      %dma_wait3A_30 = tpu.memref_slice %arg3[%mul3A_2] : memref<1000000xf32, #tpu.memory_space<hbm>> -> memref<31296xf32, #tpu.memory_space<hbm>>
      %dma_wait3A_31 = arith.constant 0 : i32
      %dma_wait3A_32 = tpu.memref_slice %arg4[%dma_wait3A_31] : memref<31296xf32, #tpu.memory_space<vmem>> -> memref<31296xf32, #tpu.memory_space<vmem>>
      tpu.wait_dma2 semaphore(%arg6 : memref<!tpu.dma_semaphore, #tpu.memory_space<semaphore_mem>>) src(%dma_wait3A_32 : memref<31296xf32, #tpu.memory_space<vmem>>) dst(%dma_wait3A_30 : memref<31296xf32, #tpu.memory_space<hbm>>)
    } else {
    }
    %eq3A_18 = arith.constant 31 : i32
    %eq3A_19 = arith.cmpi eq, %add3A, %eq3A_18 : i32
    %convert_element_type3A_20 = arith.extui %eq3A_19 : i1 to i32
    %cond3A_21 = arith.constant 0 : i32
    %cond3A_22 = arith.cmpi ne, %convert_element_type3A_20, %cond3A_21 : i32
    scf.if %cond3A_22 {
      %dma_start3A = arith.constant 0 : i32
      %dma_start3A_23 = tpu.memref_slice %arg4[%dma_start3A] : memref<31296xf32, #tpu.memory_space<vmem>> -> memref<29824xf32, #tpu.memory_space<vmem>>
      %dma_start3A_24 = tpu.memref_slice %arg3[%mul3A_2] : memref<1000000xf32, #tpu.memory_space<hbm>> -> memref<29824xf32, #tpu.memory_space<hbm>>
      %dma_start3A_25 = tpu.memref_slice %arg3[%mul3A_2] : memref<1000000xf32, #tpu.memory_space<hbm>> -> memref<29824xf32, #tpu.memory_space<hbm>>
      %dma_start3A_26 = arith.constant 0 : i32
      %dma_start3A_27 = tpu.memref_slice %arg4[%dma_start3A_26] : memref<31296xf32, #tpu.memory_space<vmem>> -> memref<29824xf32, #tpu.memory_space<vmem>>
      tpu.enqueue_dma source(%dma_start3A_27 : memref<29824xf32, #tpu.memory_space<vmem>>) target(%dma_start3A_25 : memref<29824xf32, #tpu.memory_space<hbm>>) target_semaphore(%arg6 : memref<!tpu.dma_semaphore, #tpu.memory_space<semaphore_mem>>)
      %dma_wait3A = arith.constant 0 : i32
      %dma_wait3A_28 = tpu.memref_slice %arg4[%dma_wait3A] : memref<31296xf32, #tpu.memory_space<vmem>> -> memref<29824xf32, #tpu.memory_space<vmem>>
      %dma_wait3A_29 = tpu.memref_slice %arg3[%mul3A_2] : memref<1000000xf32, #tpu.memory_space<hbm>> -> memref<29824xf32, #tpu.memory_space<hbm>>
      %dma_wait3A_30 = tpu.memref_slice %arg3[%mul3A_2] : memref<1000000xf32, #tpu.memory_space<hbm>> -> memref<29824xf32, #tpu.memory_space<hbm>>
      %dma_wait3A_31 = arith.constant 0 : i32
      %dma_wait3A_32 = tpu.memref_slice %arg4[%dma_wait3A_31] : memref<31296xf32, #tpu.memory_space<vmem>> -> memref<29824xf32, #tpu.memory_space<vmem>>
      tpu.wait_dma2 semaphore(%arg6 : memref<!tpu.dma_semaphore, #tpu.memory_space<semaphore_mem>>) src(%dma_wait3A_32 : memref<29824xf32, #tpu.memory_space<vmem>>) dst(%dma_wait3A_30 : memref<29824xf32, #tpu.memory_space<hbm>>)
    } else {
    }
    return
  }
}

module attributes {stable_mosaic.version = 14 : i64} {
  func.func @_add_kernel(%arg0: i32, %arg1: memref<32x65536xf32, #tpu.memory_space<vmem>>, %arg2: memref<1x65536xf32, #tpu.memory_space<vmem>>, %arg3: memref<32x65536xf32, #tpu.memory_space<vmem>>) attributes {dimension_semantics = [#tpu.dimension_semantics<arbitrary>], iteration_bounds = array<i64: 16>, scalar_prefetch = 0 : i64, scratch_operands = 0 : i64, tpu.core_type = #tpu.core_type<tc>, window_params = [{transform_indices = @transform_0, window_bounds = array<i64: 32, 65536>}, {transform_indices = @transform_1, window_bounds = array<i64: 1, 65536>}, {transform_indices = @transform_2, window_bounds = array<i64: 32, 65536>}]} {
    %get3A = arith.constant 0 : index
    %get3A_0 = arith.constant 0 : index
    %get3A_1 = vector.load %arg1[%get3A, %get3A_0] : memref<32x65536xf32, #tpu.memory_space<vmem>>, vector<32x65536xf32>
    %get3A_2 = arith.constant 0 : index
    %get3A_3 = arith.constant 0 : index
    %get3A_4 = vector.load %arg2[%get3A_2, %get3A_3] : memref<1x65536xf32, #tpu.memory_space<vmem>>, vector<1x65536xf32>
    %add3A = vector.broadcast %get3A_4 : vector<1x65536xf32> to vector<32x65536xf32>
    %add3A_5 = arith.addf %get3A_1, %add3A : vector<32x65536xf32>
    %swap3A = arith.constant 0 : index
    %swap3A_6 = arith.constant 0 : index
    %swap3A_7 = vector.load %arg3[%swap3A, %swap3A_6] : memref<32x65536xf32, #tpu.memory_space<vmem>>, vector<32x65536xf32>
    tpu.vector_store %arg3[%swap3A, %swap3A_6], %add3A_5 {strides = array<i32>} : memref<32x65536xf32, #tpu.memory_space<vmem>>, vector<32x65536xf32>,
    return
  }
  func.func @transform_0(%arg0: i32) -> (i32, i32) {
    %c0_i32 = arith.constant 0 : i32
    %c0_i32_0 = arith.constant 0 : i32
    return %c0_i32, %arg0 : i32, i32
  }
  func.func @transform_1(%arg0: i32) -> (i32, i32) {
    %c0_i32 = arith.constant 0 : i32
    %c0_i32_0 = arith.constant 0 : i32
    return %c0_i32, %arg0 : i32, i32
  }
  func.func @transform_2(%arg0: i32) -> (i32, i32) {
    %c0_i32 = arith.constant 0 : i32
    %c0_i32_0 = arith.constant 0 : i32
    return %c0_i32, %arg0 : i32, i32
  }
}

</mosaic_0001>

<sc_bundles>
// kernel: kernel.4.cloned.1.call-start
scs
__scs_entry_jumppad:
0x0: {  	(pc) =	sbr.rel $0x88, $3  }
0x1: {  	(tag) =	ssettag $0x0;
	lr =	simm.s32 $0x1  }
0x2: {  	[smem:$0x3F9F] =	sst lr;
	_ =	strace $0xD0000000  }
0x3: {  	_ = 	snop  }
0x4: {  	_ = 	snop  }
0x5: {  	_ = 	snop  }
0x6: {  	_ = 	snop  }
0x7: {  	_ = 	snop  }
__scs_overlays_trampoline_lowered:
0x8: {  	[smem:$0x3FAE] =	sst s0  }
0x9: {  	[smem:$0x3FAF] =	sst s1  }
0xa: {  	[smem:$0x3FB0] =	sst s2  }
0xb: {  	[smem:$0x3FB1] =	sst s3  }
0xc: {  	[smem:$0x3FB2] =	sst s4  }
0xd: {  	[smem:$0x3FB3] =	sst s5  }
0xe: {  	[smem:$0x3FB4] =	sst s6  }
0xf: {  	[smem:$0x3FB5] =	sst s7  }
0x10: {  	[smem:$0x3FB6] =	sst s8  }
0x11: {  	[smem:$0x3FB7] =	sst s9;
	s0 =	simm.s32 @!p0 $0x0  }
0x12: {  	s1 =	sld [smem:$0x3F9D];
	s0 =	simm.s32 @p0 $0x1  }
0x13: {  	[smem:$0x3FB8] =	sst s0;
	s0 =	simm.s32 @!p1 $0x0  }
0x14: {  	s2 =	sld [smem:$0x3F9C];
	s0 =	simm.s32 @p1 $0x1  }
0x15: {  	[smem:$0x3FB9] =	sst s0;
	s0 =	simm.s32 @!p2 $0x0  }
0x16: {  	s3 =	sld [smem:$0x3FDB];
	s0 =	simm.s32 @p2 $0x1  }
0x17: {  	s4 =	simm.s32 $0x1BF5;
	[smem:$0x3FBB] =	sst s0  }
0x18: {  	s0 =	sld [smem:$0x3F9E];
	_ =	swait.ge [sflag:s4], $0x0  }
0x19: {  	s7 =	sld [smem:$0x3F9F]  }
0x1a: {  	s8 =	sadd.s32 $0xFFFFE003, lr  }
0x1b: {  	s9 =	sadd.s32 $0xFFFFFEF7, lr;
	s5 =	simm.s32 $0xFFFFFFFF;
	p2 =	slt.u32 s8, $0xFFFFF086  }
0x1c: {  	p1 =	slt.u32 s9, $0xF7A;
	s5 =	simm.s32 @!p2 $0x0  }
0x1d: {  	s5 =	simm.s32 @p1 $0x1;
	p0 =	seq.s32 s7, s2  }
0x1e: {  	s7 =	smul.u32 @!p0 $0xF7A, s2;
	p2 =	seq.s32 @!p0 s5, $0x0  }
0x1f: {  	s9 =	smul.u32 $0xF7A, s1;
	s8 =	simm.s32 @!p0 $0x1BF5;
	p2 =	por !p2, p0  }
0x20: {  	[sflag:s8] =	ssyncset.s32 @!p0 $0xFFFFF086;
	s6 =	sadd.s32 @!p0 s3, s7;
	s7 =	simm.s32 @!p0 $0x108  }
0x21: {  	s3 =	sadd.s32 s3, s9;
	s6 =	sadd.s32 @!p0 $0x88, s6;
	s7 =	simm.s32 @p2 $0x1082  }
0x22: {  	[simem:s7], [sflag:s8] =	dma.local @!p0 [hbm:s6], $0xF7A  }
0x23: {  	s9 =	sor.u32 $0xD0000000, s2;
	s6 =	simm.s32 $0x108;
	_ =	swait.ge @!p0 [sflag:s8], $0x0  }
0x24: {  	s3 =	sadd.s32 $0x88, s3;
	s6 =	simm.s32 @!p1 $0x1082;
	[sflag:s4] =	ssyncset.s32 $0xFFFFF086  }
0x25: {  	[simem:s6], [sflag:s4] =	dma.local [hbm:s3], $0xF7A  }
0x26: {  	[smem:$0x3F9F] =	sst s1;
	(tag) =	ssettag s2;
	_ =	strace s9  }
0x27: {  	s1 =	sld [smem:$0x3FAF]  }
0x28: {  	s2 =	sld [smem:$0x3FB0]  }
0x29: {  	s4 =	sld [smem:$0x3FB2]  }
0x2a: {  	p0 =	seq.s32 s5, $0x0;
	s5 =	sld [smem:$0x3FB3]  }
0x2b: {  	s6 =	sld [smem:$0x3FB4]  }
0x2c: {  	s7 =	sld [smem:$0x3FB5]  }
0x2d: {  	s3 =	simm.s32 $0x108;
	s8 =	sld [smem:$0x3FB6]  }
0x2e: {  	s3 =	simm.s32 @!p0 $0x1082;
	s9 =	sld [smem:$0x3FB7]  }
0x2f: {  	lr =	sadd.s32 s0, s3;
	s0 =	sld [smem:$0x3FAE]  }
0x30: {  	s3 =	sld [smem:$0x3FB1]  }
0x31: {  	[smem:$0x3FBA] =	sst s10  }
0x32: {  	s10 =	sld [smem:$0x3FB8];
	_ =	sdelay $0x3  }
0x33: {  	p0 =	seq.s32 s10, $0x1;
	s10 =	sld [smem:$0x3FBA];
	_ =	sdelay $0x3  }
0x34: {  	[smem:$0x3FBA] =	sst s10  }
0x35: {  	s10 =	sld [smem:$0x3FB9];
	_ =	sdelay $0x3  }
0x36: {  	p1 =	seq.s32 s10, $0x1;
	s10 =	sld [smem:$0x3FBA];
	_ =	sdelay $0x3  }
0x37: {  	[smem:$0x3FBA] =	sst s10  }
0x38: {  	s10 =	sld [smem:$0x3FBB]  }
0x39: {  	_ = 	snop;
	(pc) =	sbr.ind lr, $3  }
0x3a: {  	_ = 	snop  }
0x3b: {  	_ = 	snop  }
0x3c: {  	p2 =	seq.s32 s10, $0x1;
	s10 =	sld [smem:$0x3FBA]  }
0x3d: {  	_ =	shalt  }
0x3e: {  	_ =	shalt  }
0x3f: {  	_ =	shalt  }
0x40: {  	_ =	shalt  }
0x41: {  	_ =	shalt  }
0x42: {  	_ =	shalt  }
0x43: {  	_ =	shalt  }
0x44: {  	_ =	shalt  }
0x45: {  	_ =	shalt  }
0x46: {  	_ =	shalt  }
0x47: {  	_ =	shalt  }
0x48: {  	_ =	shalt  }
0x49: {  	_ =	shalt  }
0x4a: {  	_ =	shalt  }
0x4b: {  	_ =	shalt  }
0x4c: {  	_ =	shalt  }
0x4d: {  	_ =	shalt  }
0x4e: {  	_ =	shalt  }
0x4f: {  	_ =	shalt  }
0x50: {  	_ =	shalt  }
0x51: {  	_ =	shalt  }
0x52: {  	_ =	shalt  }
0x53: {  	_ =	shalt  }
0x54: {  	_ =	shalt  }
0x55: {  	_ =	shalt  }
0x56: {  	_ =	shalt  }
0x57: {  	_ =	shalt  }
0x58: {  	_ =	shalt  }
0x59: {  	_ =	shalt  }
0x5a: {  	_ =	shalt  }
0x5b: {  	_ =	shalt  }
0x5c: {  	_ =	shalt  }
0x5d: {  	_ =	shalt  }
0x5e: {  	_ =	shalt  }
0x5f: {  	_ =	shalt  }
0x60: {  	_ =	shalt  }
0x61: {  	_ =	shalt  }
0x62: {  	_ =	shalt  }
0x63: {  	_ =	shalt  }
0x64: {  	_ =	shalt  }
0x65: {  	_ =	shalt  }
0x66: {  	_ =	shalt  }
0x67: {  	_ =	shalt  }
0x68: {  	_ =	shalt  }
0x69: {  	_ =	shalt  }
0x6a: {  	_ =	shalt  }
0x6b: {  	_ =	shalt  }
0x6c: {  	_ =	shalt  }
0x6d: {  	_ =	shalt  }
0x6e: {  	_ =	shalt  }
0x6f: {  	_ =	shalt  }
0x70: {  	_ =	shalt  }
0x71: {  	_ =	shalt  }
0x72: {  	_ =	shalt  }
0x73: {  	_ =	shalt  }
0x74: {  	_ =	shalt  }
0x75: {  	_ =	shalt  }
0x76: {  	_ =	shalt  }
0x77: {  	_ =	shalt  }
0x78: {  	_ =	shalt  }
0x79: {  	_ =	shalt  }
0x7a: {  	_ =	shalt  }
0x7b: {  	_ =	shalt  }
0x7c: {  	_ =	shalt  }
0x7d: {  	_ =	shalt  }
0x7e: {  	_ =	shalt  }
0x7f: {  	_ =	shalt  }
0x80: {  	_ =	shalt  }
0x81: {  	_ =	shalt  }
0x82: {  	_ =	shalt  }
0x83: {  	_ =	shalt  }
0x84: {  	_ =	shalt  }
0x85: {  	_ =	shalt  }
0x86: {  	_ =	shalt  }
0x87: {  	_ =	shalt  }
.Lfunc_end0:
.L_simem_size_0:
called_computation_lowered:
.L_overlay_start_0:
0x88: {  	s2 =	sld [smem:$0x3FD9]  }
0x89: {  	s3 =	sld [smem:$0x3FFE];
	_ =	sdelay $0x1  }
0x8a: {  	s1 =	srdreg.scid  }
0x8b: {  	s0 =	sand.u32 $0x1, s1  }
0x8c: {  	s18 =	sshll.u32 s0, $0xA;
	s2 =	sadd.s32 s3, s2  }
0x8d: {  	s2 =	sadd.s32 s2, s18  }
0x8e: {  	[smem:$0x3FC6] =	sst s2  }
0x8f: {  	_ = 	snop  }
0x90: {  	s2 =	sld [smem:$0x3FC8]  }
0x91: {  	s19 =	sld [smem:$0x3FD0];
	(tm) =	ssettm $0x1  }
0x92: {  	s4 =	sld [smem:$0x3FFB];
	_ =	sdelay $0x3  }
0x93: {  	_ =	strace s4  }
0x94: {  	s4 =	sld [smem:$0x3FFC];
	_ =	sdelay $0x3  }
0x95: {  	_ =	strace s4  }
0x96: {  	s4 =	sld [smem:$0x3FFD];
	_ =	sdelay $0x3  }
0x97: {  	_ =	strace s4  }
0x98: {  	_ =	strace $0x8FFFFFFF  }
0x99: {  	s20 =	sld [smem:$0x3FDB];
	_ =	sdelay $0x1  }
0x9a: {  	s5 =	simm.s32 $_scs_section_size  }
0x9b: {  	s6 =	simm.s32 $_size__tile_overlayer_lowered;
	s7 =	simm.s32 $_tile_overlayer_lowered  }
0x9c: {  	s23 =	simm.s32 $0x1BFF;
	s22 =	sshll.u32 s7, $0x1;
	s4 =	sadd.s32 s5, s20  }
0x9d: {  	s8 =	simm.s32 $0x0;
	s21 =	sshll.u32 s6, $0x1;
	s6 =	sadd.s32 s22, s4  }
0x9e: {  	[timem:s8], [sflag:s23] =	dma.local [hbm:s6], s21  }
0x9f: {  	_ =	swait.ge [sflag:s23], s21  }
0xa0: {  	s5 =	ssub.s32 $0x0, s21;
	[sflag:s23] =	ssyncset.done $0x0  }
0xa1: {  	[sflag:s23] =	ssyncadd.s32 s5;
	_ =	sdelay $0x1  }
0xa2: {  	s24 =	simm.s32 $0x1B8B  }
0xa3: {  	_ =	swait.ge [sflag:s24], $0x1  }
0xa4: {  	[sflag:s24] =	ssyncset.done $0x0  }
0xa5: {  	s25 =	simm.s32 $0x1B8E;
	[sflag:s24] =	ssyncadd.s32 $0xFFFFFFFF  }
0xa6: {  	s26 =	simm.s32 $execute0_lowered;
	[smem:$0x3FD2] =	sst s25  }
0xa7: {  	s5 =	sshll.u32 s26, $0x1;
	_ =	strace $0x80000046;
	[dreg:$0x1] =	wrdreg $0xFFFFFFFF  }
0xa8: {  	s28 =	simm.s32 $_size_execute0_lowered;
	s4 =	sadd.s32 s4, s5;
	[dreg:$0x0] =	wrdreg $0x0  }
0xa9: {  	s5 =	sshll.u32 s28, $0x1;
	[dreg:$0x2] =	wrdreg s4  }
0xaa: {  	[dreg:$0x3] =	wrdreg s5  }
0xab: {  	[dreg:$0x4] =	wrdreg $0xC0  }
0xac: {  	_ =	task [dreg:s8], $0x5FFFF  }
0xad: {  	[dreg:$0x1] =	wrdreg $0xFFFFFFFF  }
0xae: {  	[dreg:$0x0] =	wrdreg $0x60  }
0xaf: {  	[dreg:$0x2] =	wrdreg s2  }
0xb0: {  	[dreg:$0x3] =	wrdreg s19  }
0xb1: {  	[dreg:$0x4] =	wrdreg $0x9  }
0xb2: {  	_ =	task.clear_ibuf [dreg:s8], $0x5FFFF;
	_ =	strace $0x90000046  }
0xb3: {  	s29 =	simm.s32 $0x9;
	_ =	strace $0x80000048  }
0xb4: {  	_ =	swait.ge [sflag:s29], $0x1  }
0xb5: {  	[sflag:s29] =	ssyncadd.s32 $0xFFFFFFFF  }
0xb6: {  	_ =	strace $0x90000048  }
0xb7: {  	_ =	sfence  }
0xb8: {  	s30 =	sld [smem:$0x0];
	_ =	sdelay $0x2  }
0xb9: {  	s31 =	sshll.u32 s1, $0xD;
	s1 =	sshrl.u32 s1, $0x2  }
0xba: {  	s3 =	sand.u32 $0x4000, s31;
	s1 =	sadd.s32 s1, s30  }
0xbb: {  	s0 =	sor.u32 s3, s0;
	s1 =	sshll.u32 s1, $0x11  }
0xbc: {  	s0 =	sor.u32 s1, s0  }
0xbd: {  	s0 =	sadd.s32 $0x8F2B, s0  }
0xbe: {  	[sflag:s0] =	ssyncadd.remote.s32 $0x1  }
0xbf: {  	_ =	sfence.sel $0xFFFF  }
0xc0: {  	[dreg:$0x0] =	wrdreg $0xFFFFFFFF;
	(pc) =	sbr.abs _section_cstart, $3  }
0xc1: {  	[dreg:$0x1] =	wrdreg $0xFFFFFFFF  }
0xc2: {  	_ =	task.clear_ibuf [dreg:s8], $0x2FFFF;
	_ =	strace $0x9FFFFFFF  }
0xc3: {  	(tm) =	ssettm $0x7FFFFFFF  }
tec
execute0_lowered:
.L_overlay_start_1:
0x0: {  	(tag) =	ssettag $0x1  }
0x1: {  	s1 =	rddreg [dreg:$0x0]  }
0x2: {  	s5 =	rddreg [dreg:$0x1];
	s2 =	srdreg.scid  }
0x3: {  	s0 =	rddreg [dreg:$0x2];
	s4 =	sand.u32 $0x1, s2  }
0x4: {  	s3 =	simm.s32 $0x0;
	s2 =	stileid.u32;
	s6 =	sshll.u32 s4, $0x4  }
0x5: {  	[smem:$0x7FF] =	sst s3;
	s4 =	ssub.s32 $0x2, s4;
	s6 =	sor.u32 s2, s6  }
0x6: {  	s7 =	smul.u32 $0x7A40, s6;
	p0 =	seq.s32 s6, $0x1F;
	s6 =	simm.s32 $0x7480  }
0x7: {  	_ =	strace $0x80000047;
	s8 =	sshrl.u32 s4, $0x1;
	s6 =	simm.s32 @!p0 $0x7A40  }
0x8: {  	s8 =	ssub.s32 s4, s8;
	s9 =	sadd.s32 s7, s6;
	s31 =	sshrl.u32 s7, $0x3  }
0x9: {  	v0 =	vmov s7;
	s6 =	smax.u32 s8, $0x1;
	s7 =	simm.s32 $0x7A80;
	s8 =	simm.s32 $0x1  }
0xa: {  	v2 =	vimm.f32 $0.0e+00;
	v3 =	vimm.f32 $1.000000010e-01;
	s4 =	sadd.s32 s5, s31;
	s5 =	sadd.s32 $0x1D9B8, s5;
	v1 =	vmov s9;
	s9 =	simm.s32 $0x0  }
.LBB2_1:
0xb: {  	s10 =	simm.s32 $0x40;
	s11 =	simm.s32 $0x0  }
.LBB2_2:
0xc: {  	p1 =	sne.s32 s10, $0x1E8C0;
	[tilespmem:s11+$0x0] =	vst v2;
	s11 =	smov.u32 s10;
	s10 =	sadd.s32 $0x40, s10  }
.Ltmp0:
0xd: {  	(pc) =	sbr.rel @p1 .LBB2_2-.Ltmp0, $2  }
0xe: {  	_ =	sdelay $0x2  }
0xf: {  	s11 =	sshra.s32 s11, $0x2  }
0x10: {  	[tilespmem:s11+$0x0] =	vst v2;
	s10 =	simm.s32 $0x0  }
0x11: {  	[tilespmem:s7], [sflag:$0x1] =	stream.linear.gather [hbm4b:s1+s10], $0x200, $0x38;
	[tilespmem:$0x7C80] =	vst v63  }
0x12: {  	_ =	swait.ge [sflag:s8], $0x200  }
0x13: {  	[sflag:s8] =	ssyncset.done $0x0  }
0x14: {  	s11 =	simm.s32 $0x0;
	s10 =	simm.s32 $0x40;
	[sflag:s8] =	ssyncadd.s32 $0xFFFFFE00  }
.LBB2_4:
0x15: {  	p1 =	sne.s32 s10, $0x7C0;
	v4 =	vld [tilespmem:s11+$0x7A80];
	_ =	sdelay $0x4  }
0x16: {  	vm0 =	vge.s32 v4, v0;
	vm1 =	vlt.s32 v4, v1  }
0x17: {  	v4 =	vsub.s32 v4, v0;
	vm0 =	vmand vm0, vm1  }
0x18: {  	v4 =	vnsel vm0, $0x0, v4  }
.Ltmp1:
0x19: {  	(pc) =	sbr.rel @p1 .LBB2_4-.Ltmp1, $2  }
0x1a: {  	_ =	sdelay $0x2  }
0x1b: {  	s11 =	sshra.s32 s10, $0x2;
	s10 =	sadd.s32 $0x40, s10;
	[tilespmem:v4+s3+$0x0] =	vst.idx.msk vm0, v3  }
0x1c: {  	v4 =	vld [tilespmem:s11+$0x7A80];
	_ =	sdelay $0x4  }
0x1d: {  	vm0 =	vge.s32 v4, v0;
	vm1 =	vlt.s32 v4, v1  }
0x1e: {  	v4 =	vsub.s32 v4, v0;
	vm0 =	vmand vm0, vm1  }
0x1f: {  	v4 =	vnsel vm0, $0x0, v4;
	_ =	sdelay $0x4  }
0x20: {  	s10 =	simm.s32 @p0 $0x0;
	[tilespmem:v4+s3+$0x0] =	vst.idx.msk vm0, v3  }
0x21: {  	[hbm4b:s5+s10] =	stream.linear.scatter @p0 [tilespmem:s10], [sflag:$0x1], $0x7480, $0x38;
	[tilespmem:$0x7C80] =	vst v63  }
0x22: {  	s10 =	simm.s32 @p0 $0x1  }
0x23: {  	_ =	swait.ge @p0 [sflag:s10], $0x7480  }
0x24: {  	s9 =	sadd.s32 $0x1, s9;
	[sflag:s10] =	ssyncset.done @p0 $0x0  }
0x25: {  	p1 =	sne.s32 s9, s6;
	[sflag:s10] =	ssyncadd.s32 @p0 $0xFFFF8B80;
	s10 =	simm.s32 @!p0 $0x0  }
0x26: {  	[hbm4b:s4+s10] =	stream.linear.scatter @!p0 [tilespmem:s10], [sflag:$0x1], $0x7A40, $0x38;
	[tilespmem:$0x7C80] =	vst v63  }
.Ltmp2:
0x27: {  	_ = 	snop;
	(pc) =	sbr.rel @p1 .LBB2_1-.Ltmp2, $4  }
0x28: {  	s10 =	simm.s32 @!p0 $0x1  }
0x29: {  	_ =	swait.ge @!p0 [sflag:s10], $0x7A40  }
0x2a: {  	[sflag:s10] =	ssyncset.done @!p0 $0x0  }
0x2b: {  	[sflag:s10] =	ssyncadd.s32 @!p0 $0xFFFF85C0  }
0x2c: {  	_ =	sfence.sel $0x180000  }
0x2d: {  	[bflag:$0x0] =	sbarrier.arrive $0xFFFF  }
0x2e: {  	p0 =	sne.s32 s2, $0x0;
	_ =	strace $0x90000047  }
0x2f: {  	s0 =	sadd.s32 @!p0 $0x100000, s0;
	[bflag:$0x2] =	sbarrier.arrive $0xFFFF  }
0x30: {  	[sflag:s0] =	ssyncadd.tile.s32 @!p0 $0x1;
	_ =	shalt  }
.Lfunc_end2:
_tile_overlayer_lowered:
.L_overlay_start_2:
0x31: {  	(tag) =	ssettag $0x2  }
0x32: {  	s0 =	rddreg [dreg:$0x0];
	s2 =	stileid.u32  }
0x33: {  	s1 =	rddreg [dreg:$0x1];
	p0 =	sne.s32 s2, $0x0  }
0x34: {  	s3 =	rddreg [dreg:$0x2];
	[bflag:$0x3] =	sbarrier.arrive $0xFFFF;
	s2 =	simm.s32 @!p0 $0x1C02  }
0x35: {  	[timem:s3], [sflag:s2] =	dma.local @!p0 [hbm:s0], s1  }
0x36: {  	s0 =	simm.s32 @!p0 $0x2  }
0x37: {  	_ =	swait.ge @!p0 [sflag:s0], s1  }
0x38: {  	s1 =	ssub.s32 @!p0 $0x0, s1;
	[sflag:s0] =	ssyncset.done @!p0 $0x0  }
0x39: {  	[sflag:s0] =	ssyncadd.s32 @!p0 s1  }
0x3a: {  	[bflag:$0x3] =	sbarrier.arrive $0xFFFF  }
0x3b: {  	_ =	shalt  }

</sc_bundles>
